<compile_context>
chip_gen: v7x
topology: tpu7x:2x2x1
jax: 0.10.2.dev20260603
libtpu: 0.0.44.dev20260713+nightly
codegen_flags: <defaults>
</compile_context>

<pallas_src>
import functools

import jax
import jax.numpy as jnp
from jax import lax
from jax.experimental import pallas as pl
from jax.experimental.pallas import tpu as pltpu
from jax.experimental.pallas import tpu_sc as plsc

B, T = 1024, 50
ROW = 1000
ROWP = 1024
NUM_WORKERS = 32
PER_WORKER = B // NUM_WORKERS
PAIRS = PER_WORKER // 2

_MESH = plsc.VectorSubcoreMesh(core_axis_name="c", subcore_axis_name="s")


@functools.partial(
    pl.kernel,
    mesh=_MESH,
    out_type=jax.ShapeDtypeStruct((B, T, 8, 128), jnp.float32),
    scratch_types=[
        pltpu.VMEM((PER_WORKER, T), jnp.int32),
        pltpu.VMEM((T, 8, 128), jnp.float32),
        pltpu.VMEM((T, 8, 128), jnp.float32),
        pltpu.SemaphoreType.DMA,
        pltpu.SemaphoreType.DMA,
        pltpu.SemaphoreType.DMA,
        pltpu.SemaphoreType.DMA,
    ],
)
def _gather(idx_hbm, table_hbm, out_hbm, idx_v, b0, b1, sg0, sg1, ss0, ss1):
    wid = lax.axis_index("s") * 2 + lax.axis_index("c")
    base = wid * PER_WORKER
    pltpu.sync_copy(idx_hbm.at[pl.ds(base, PER_WORKER)], idx_v)

    def g_start(j, buf, sem):
        return pltpu.async_copy(table_hbm.at[idx_v.at[j]], buf, sem)

    def g_wait(j, buf, sem):
        pltpu.make_async_copy(table_hbm.at[idx_v.at[j]], buf, sem).wait()

    def s_start(j, buf, sem):
        return pltpu.async_copy(buf, out_hbm.at[base + j], sem)

    def s_wait(j, buf, sem):
        pltpu.make_async_copy(buf, out_hbm.at[base + j], sem).wait()

    d = g_start(0, b0, sg0)
    d.wait()
    d0 = s_start(0, b0, ss0)
    g_start(1, b1, sg1)
    d0.wait()
    g_start(2, b0, sg0)
    g_wait(1, b1, sg1)
    s_start(1, b1, ss1)

    def body(s, carry):
        j0 = 2 * s
        j1 = j0 + 1
        g_wait(j0, b0, sg0)
        dsc = s_start(j0, b0, ss0)
        s_wait(j1 - 2, b1, ss1)
        dg = g_start(j1, b1, sg1)
        dsc.wait()
        g_start(j0 + 2, b0, sg0)
        dg.wait()
        s_start(j1, b1, ss1)
        return carry

    lax.fori_loop(1, PAIRS - 1, body, 0)

    jA = PER_WORKER - 2
    jB = PER_WORKER - 1
    g_wait(jA, b0, sg0)
    dA = s_start(jA, b0, ss0)
    s_wait(jA - 1, b1, ss1)
    dB = g_start(jB, b1, sg1)
    dB.wait()
    dC = s_start(jB, b1, ss1)
    dA.wait()
    dC.wait()


def kernel(x, logits_table):
    table3 = jnp.pad(logits_table, ((0, 0), (0, ROWP - ROW))).reshape(
        1000, 8, 128
    )
    out = _gather(x.astype(jnp.int32), table3)
    return out.reshape(B, T, ROWP)[:, :, :ROW]

# --- scband reference (transcript-rebuilt; emitter-appended) ---
"""Pipeline reference for scband-bigram-81595788690050 (READ-ONLY COPY).

The authoritative reference and input builder live on the scoring server;
editing this copy changes nothing except your own understanding.
"""

import jax, jax.numpy as jnp
import numpy as np

VOCAB = 1000
B, T = 1024, 50

def setup_inputs(seed: int = 0) -> dict:
    key = jax.random.key(seed)
    k1, k2 = jax.random.split(key)
    x = jax.random.randint(k1, (B, T), 0, VOCAB, dtype=jnp.int64)
    logits_table = jax.random.normal(k2, (VOCAB, VOCAB), dtype=jnp.float32) * 0.02
    return {"x": x, "logits_table": logits_table}

def reference(x, logits_table):
    # Bigram forward: row-gather from the [V, V] logits table
    logits = jnp.take(logits_table, x, axis=0)  # (B, T, V)
    return logits

if __name__ == "__main__":
    import jax
    _d = setup_inputs()
    print(jax.jit(kernel)(*tuple(_d.values())))

</pallas_src>

<mosaic_0001>
#map = affine_map<(d0, d1) -> (0, 0)>
#map1 = affine_map<(d0, d1) -> (0, 0, 0)>
#map2 = affine_map<(d0, d1) -> (0, 0, 0, 0)>
module attributes {stable_mosaic.version = 14 : i64} {
  func.func @_gather(%arg0: i32, %arg1: i32, %arg2: memref<1024x50xi32, #tpu.memory_space<hbm>>, %arg3: memref<1000x8x128xf32, #tpu.memory_space<hbm>>, %arg4: memref<1024x50x8x128xf32, #tpu.memory_space<hbm>>, %arg5: memref<32x50xi32, #tpu.memory_space<vmem>>, %arg6: memref<50x8x128xf32, #tpu.memory_space<vmem>>, %arg7: memref<50x8x128xf32, #tpu.memory_space<vmem>>, %arg8: memref<!tpu.dma_semaphore, #tpu.memory_space<semaphore_mem>>, %arg9: memref<!tpu.dma_semaphore, #tpu.memory_space<semaphore_mem>>, %arg10: memref<!tpu.dma_semaphore, #tpu.memory_space<semaphore_mem>>, %arg11: memref<!tpu.dma_semaphore, #tpu.memory_space<semaphore_mem>>) attributes {dimension_semantics = [#tpu.dimension_semantics<core_parallel>, #tpu.dimension_semantics<subcore_parallel>], iteration_bounds = array<i64: 2, 16>, scalar_prefetch = 0 : i64, scratch_operands = 7 : i64, tpu.core_type = #tpu.core_type<sc_vector_subcore>, window_params = [{transform_indices = #map}, {transform_indices = #map1}, {transform_indices = #map2}]} {
    %mul3A = arith.constant 2 : i32
    %mul3A_0 = arith.muli %arg1, %mul3A : i32
    %add3A = arith.addi %mul3A_0, %arg0 : i32
    %mul3A_1 = arith.constant 32 : i32
    %mul3A_2 = arith.muli %add3A, %mul3A_1 : i32
    "tpu.region"() ({
      %run_scoped3A = tpu.sem_alloc : memref<!tpu.dma_semaphore, #tpu.memory_space<semaphore_mem>>
      %dma_start3A_160 = arith.constant 0 : i32
      %dma_start3A_161 = tpu.memref_slice %arg2[%mul3A_2, %dma_start3A_160] : memref<1024x50xi32, #tpu.memory_space<hbm>> -> memref<32x50xi32, #tpu.memory_space<hbm>>
      %dma_start3A_162 = arith.constant 0 : i32
      %dma_start3A_163 = tpu.memref_slice %arg2[%mul3A_2, %dma_start3A_162] : memref<1024x50xi32, #tpu.memory_space<hbm>> -> memref<32x50xi32, #tpu.memory_space<hbm>>
      tpu.enqueue_dma source(%dma_start3A_163 : memref<32x50xi32, #tpu.memory_space<hbm>>) target(%arg5 : memref<32x50xi32, #tpu.memory_space<vmem>>) target_semaphore(%run_scoped3A : memref<!tpu.dma_semaphore, #tpu.memory_space<semaphore_mem>>)
      %dma_wait3A_164 = arith.constant 0 : i32
      %dma_wait3A_165 = tpu.memref_slice %arg2[%mul3A_2, %dma_wait3A_164] : memref<1024x50xi32, #tpu.memory_space<hbm>> -> memref<32x50xi32, #tpu.memory_space<hbm>>
      %dma_wait3A_166 = arith.constant 0 : i32
      %dma_wait3A_167 = tpu.memref_slice %arg2[%mul3A_2, %dma_wait3A_166] : memref<1024x50xi32, #tpu.memory_space<hbm>> -> memref<32x50xi32, #tpu.memory_space<hbm>>
      tpu.wait_dma2 semaphore(%run_scoped3A : memref<!tpu.dma_semaphore, #tpu.memory_space<semaphore_mem>>) src(%dma_wait3A_167 : memref<32x50xi32, #tpu.memory_space<hbm>>) dst(%arg5 : memref<32x50xi32, #tpu.memory_space<vmem>>)
      tpu.yield
    }) : () -> ()
    %dma_start3A = arith.constant 0 : i32
    %dma_start3A_3 = arith.constant 0 : i32
    %dma_start3A_4 = tpu.memref_slice %arg5[%dma_start3A, %dma_start3A_3] : memref<32x50xi32, #tpu.memory_space<vmem>> -> memref<1x50xi32, #tpu.memory_space<vmem>>
    %dma_start3A_5 = tpu.memref_squeeze %dma_start3A_4 : memref<1x50xi32, #tpu.memory_space<vmem>> -> memref<50xi32, #tpu.memory_space<vmem>>
    %dma_start3A_6 = arith.constant 0 : i32
    %dma_start3A_7 = arith.constant 0 : i32
    %dma_start3A_8 = arith.constant 0 : i32
    %dma_start3A_9 = tpu.memref_slice %arg3[%dma_start3A_6, %dma_start3A_7, %dma_start3A_8] : memref<1000x8x128xf32, #tpu.memory_space<hbm>> -> memref<1000x8x128xf32, #tpu.memory_space<hbm>>
    tpu.enqueue_indirect_dma source(%dma_start3A_9 : memref<1000x8x128xf32, #tpu.memory_space<hbm>>) target(%arg6 : memref<50x8x128xf32, #tpu.memory_space<vmem>>) offsets(%dma_start3A_5 : memref<50xi32, #tpu.memory_space<vmem>>) semaphore(%arg8 : memref<!tpu.dma_semaphore, #tpu.memory_space<semaphore_mem>>)
    %dma_wait3A = arith.constant 0 : i32
    %dma_wait3A_10 = arith.constant 0 : i32
    %dma_wait3A_11 = tpu.memref_slice %arg5[%dma_wait3A, %dma_wait3A_10] : memref<32x50xi32, #tpu.memory_space<vmem>> -> memref<1x50xi32, #tpu.memory_space<vmem>>
    %dma_wait3A_12 = tpu.memref_squeeze %dma_wait3A_11 : memref<1x50xi32, #tpu.memory_space<vmem>> -> memref<50xi32, #tpu.memory_space<vmem>>
    %dma_wait3A_13 = arith.constant 0 : i32
    %dma_wait3A_14 = arith.constant 0 : i32
    %dma_wait3A_15 = arith.constant 0 : i32
    %dma_wait3A_16 = tpu.memref_slice %arg3[%dma_wait3A_13, %dma_wait3A_14, %dma_wait3A_15] : memref<1000x8x128xf32, #tpu.memory_space<hbm>> -> memref<1000x8x128xf32, #tpu.memory_space<hbm>>
    tpu.wait_indirect_dma semaphore(%arg8 : memref<!tpu.dma_semaphore, #tpu.memory_space<semaphore_mem>>) src(%dma_wait3A_16 : memref<1000x8x128xf32, #tpu.memory_space<hbm>>) dst(%arg6 : memref<50x8x128xf32, #tpu.memory_space<vmem>>)
    %add3A_17 = arith.constant 0 : i32
    %add3A_18 = arith.addi %mul3A_2, %add3A_17 : i32
    %dma_start3A_19 = arith.constant 0 : i32
    %dma_start3A_20 = arith.constant 0 : i32
    %dma_start3A_21 = arith.constant 0 : i32
    %dma_start3A_22 = tpu.memref_slice %arg4[%add3A_18, %dma_start3A_19, %dma_start3A_20, %dma_start3A_21] : memref<1024x50x8x128xf32, #tpu.memory_space<hbm>> -> memref<1x50x8x128xf32, #tpu.memory_space<hbm>>
    %dma_start3A_23 = tpu.memref_squeeze %dma_start3A_22 : memref<1x50x8x128xf32, #tpu.memory_space<hbm>> -> memref<50x8x128xf32, #tpu.memory_space<hbm>>
    %dma_start3A_24 = arith.constant 0 : i32
    %dma_start3A_25 = arith.constant 0 : i32
    %dma_start3A_26 = arith.constant 0 : i32
    %dma_start3A_27 = tpu.memref_slice %arg4[%add3A_18, %dma_start3A_24, %dma_start3A_25, %dma_start3A_26] : memref<1024x50x8x128xf32, #tpu.memory_space<hbm>> -> memref<1x50x8x128xf32, #tpu.memory_space<hbm>>
    %dma_start3A_28 = tpu.memref_squeeze %dma_start3A_27 : memref<1x50x8x128xf32, #tpu.memory_space<hbm>> -> memref<50x8x128xf32, #tpu.memory_space<hbm>>
    tpu.enqueue_dma source(%arg6 : memref<50x8x128xf32, #tpu.memory_space<vmem>>) target(%dma_start3A_28 : memref<50x8x128xf32, #tpu.memory_space<hbm>>) target_semaphore(%arg10 : memref<!tpu.dma_semaphore, #tpu.memory_space<semaphore_mem>>)
    %dma_start3A_29 = arith.constant 1 : i32
    %dma_start3A_30 = arith.constant 0 : i32
    %dma_start3A_31 = tpu.memref_slice %arg5[%dma_start3A_29, %dma_start3A_30] : memref<32x50xi32, #tpu.memory_space<vmem>> -> memref<1x50xi32, #tpu.memory_space<vmem>>
    %dma_start3A_32 = tpu.memref_squeeze %dma_start3A_31 : memref<1x50xi32, #tpu.memory_space<vmem>> -> memref<50xi32, #tpu.memory_space<vmem>>
    %dma_start3A_33 = arith.constant 0 : i32
    %dma_start3A_34 = arith.constant 0 : i32
    %dma_start3A_35 = arith.constant 0 : i32
    %dma_start3A_36 = tpu.memref_slice %arg3[%dma_start3A_33, %dma_start3A_34, %dma_start3A_35] : memref<1000x8x128xf32, #tpu.memory_space<hbm>> -> memref<1000x8x128xf32, #tpu.memory_space<hbm>>
    tpu.enqueue_indirect_dma source(%dma_start3A_36 : memref<1000x8x128xf32, #tpu.memory_space<hbm>>) target(%arg7 : memref<50x8x128xf32, #tpu.memory_space<vmem>>) offsets(%dma_start3A_32 : memref<50xi32, #tpu.memory_space<vmem>>) semaphore(%arg9 : memref<!tpu.dma_semaphore, #tpu.memory_space<semaphore_mem>>)
    %dma_wait3A_37 = arith.constant 0 : i32
    %dma_wait3A_38 = arith.constant 0 : i32
    %dma_wait3A_39 = arith.constant 0 : i32
    %dma_wait3A_40 = tpu.memref_slice %arg4[%add3A_18, %dma_wait3A_37, %dma_wait3A_38, %dma_wait3A_39] : memref<1024x50x8x128xf32, #tpu.memory_space<hbm>> -> memref<1x50x8x128xf32, #tpu.memory_space<hbm>>
    %dma_wait3A_41 = tpu.memref_squeeze %dma_wait3A_40 : memref<1x50x8x128xf32, #tpu.memory_space<hbm>> -> memref<50x8x128xf32, #tpu.memory_space<hbm>>
    %dma_wait3A_42 = arith.constant 0 : i32
    %dma_wait3A_43 = arith.constant 0 : i32
    %dma_wait3A_44 = arith.constant 0 : i32
    %dma_wait3A_45 = tpu.memref_slice %arg4[%add3A_18, %dma_wait3A_42, %dma_wait3A_43, %dma_wait3A_44] : memref<1024x50x8x128xf32, #tpu.memory_space<hbm>> -> memref<1x50x8x128xf32, #tpu.memory_space<hbm>>
    %dma_wait3A_46 = tpu.memref_squeeze %dma_wait3A_45 : memref<1x50x8x128xf32, #tpu.memory_space<hbm>> -> memref<50x8x128xf32, #tpu.memory_space<hbm>>
    tpu.wait_dma2 semaphore(%arg10 : memref<!tpu.dma_semaphore, #tpu.memory_space<semaphore_mem>>) src(%arg6 : memref<50x8x128xf32, #tpu.memory_space<vmem>>) dst(%dma_wait3A_46 : memref<50x8x128xf32, #tpu.memory_space<hbm>>)
    %dma_start3A_47 = arith.constant 2 : i32
    %dma_start3A_48 = arith.constant 0 : i32
    %dma_start3A_49 = tpu.memref_slice %arg5[%dma_start3A_47, %dma_start3A_48] : memref<32x50xi32, #tpu.memory_space<vmem>> -> memref<1x50xi32, #tpu.memory_space<vmem>>
    %dma_start3A_50 = tpu.memref_squeeze %dma_start3A_49 : memref<1x50xi32, #tpu.memory_space<vmem>> -> memref<50xi32, #tpu.memory_space<vmem>>
    %dma_start3A_51 = arith.constant 0 : i32
    %dma_start3A_52 = arith.constant 0 : i32
    %dma_start3A_53 = arith.constant 0 : i32
    %dma_start3A_54 = tpu.memref_slice %arg3[%dma_start3A_51, %dma_start3A_52, %dma_start3A_53] : memref<1000x8x128xf32, #tpu.memory_space<hbm>> -> memref<1000x8x128xf32, #tpu.memory_space<hbm>>
    tpu.enqueue_indirect_dma source(%dma_start3A_54 : memref<1000x8x128xf32, #tpu.memory_space<hbm>>) target(%arg6 : memref<50x8x128xf32, #tpu.memory_space<vmem>>) offsets(%dma_start3A_50 : memref<50xi32, #tpu.memory_space<vmem>>) semaphore(%arg8 : memref<!tpu.dma_semaphore, #tpu.memory_space<semaphore_mem>>)
    %dma_wait3A_55 = arith.constant 1 : i32
    %dma_wait3A_56 = arith.constant 0 : i32
    %dma_wait3A_57 = tpu.memref_slice %arg5[%dma_wait3A_55, %dma_wait3A_56] : memref<32x50xi32, #tpu.memory_space<vmem>> -> memref<1x50xi32, #tpu.memory_space<vmem>>
    %dma_wait3A_58 = tpu.memref_squeeze %dma_wait3A_57 : memref<1x50xi32, #tpu.memory_space<vmem>> -> memref<50xi32, #tpu.memory_space<vmem>>
    %dma_wait3A_59 = arith.constant 0 : i32
    %dma_wait3A_60 = arith.constant 0 : i32
    %dma_wait3A_61 = arith.constant 0 : i32
    %dma_wait3A_62 = tpu.memref_slice %arg3[%dma_wait3A_59, %dma_wait3A_60, %dma_wait3A_61] : memref<1000x8x128xf32, #tpu.memory_space<hbm>> -> memref<1000x8x128xf32, #tpu.memory_space<hbm>>
    tpu.wait_indirect_dma semaphore(%arg9 : memref<!tpu.dma_semaphore, #tpu.memory_space<semaphore_mem>>) src(%dma_wait3A_62 : memref<1000x8x128xf32, #tpu.memory_space<hbm>>) dst(%arg7 : memref<50x8x128xf32, #tpu.memory_space<vmem>>)
    %add3A_63 = arith.constant 1 : i32
    %add3A_64 = arith.addi %mul3A_2, %add3A_63 : i32
    %dma_start3A_65 = arith.constant 0 : i32
    %dma_start3A_66 = arith.constant 0 : i32
    %dma_start3A_67 = arith.constant 0 : i32
    %dma_start3A_68 = tpu.memref_slice %arg4[%add3A_64, %dma_start3A_65, %dma_start3A_66, %dma_start3A_67] : memref<1024x50x8x128xf32, #tpu.memory_space<hbm>> -> memref<1x50x8x128xf32, #tpu.memory_space<hbm>>
    %dma_start3A_69 = tpu.memref_squeeze %dma_start3A_68 : memref<1x50x8x128xf32, #tpu.memory_space<hbm>> -> memref<50x8x128xf32, #tpu.memory_space<hbm>>
    %dma_start3A_70 = arith.constant 0 : i32
    %dma_start3A_71 = arith.constant 0 : i32
    %dma_start3A_72 = arith.constant 0 : i32
    %dma_start3A_73 = tpu.memref_slice %arg4[%add3A_64, %dma_start3A_70, %dma_start3A_71, %dma_start3A_72] : memref<1024x50x8x128xf32, #tpu.memory_space<hbm>> -> memref<1x50x8x128xf32, #tpu.memory_space<hbm>>
    %dma_start3A_74 = tpu.memref_squeeze %dma_start3A_73 : memref<1x50x8x128xf32, #tpu.memory_space<hbm>> -> memref<50x8x128xf32, #tpu.memory_space<hbm>>
    tpu.enqueue_dma source(%arg7 : memref<50x8x128xf32, #tpu.memory_space<vmem>>) target(%dma_start3A_74 : memref<50x8x128xf32, #tpu.memory_space<hbm>>) target_semaphore(%arg11 : memref<!tpu.dma_semaphore, #tpu.memory_space<semaphore_mem>>)
    %scan3A = arith.constant 0 : i32
    %scan3A_75 = arith.constant 1 : i32
    %scan3A_76 = arith.constant 14 : i32
    %scan3A_77 = arith.addi %scan3A_75, %scan3A_76 : i32
    %scan3A_78 = arith.constant 1 : i32
    scf.for %scan3A_160 = %scan3A_75 to %scan3A_77 step %scan3A_78  : i32 {
      %mul3A_161 = arith.constant 2 : i32
      %mul3A_162 = arith.muli %mul3A_161, %scan3A_160 : i32
      %add3A_163 = arith.constant 1 : i32
      %add3A_164 = arith.addi %mul3A_162, %add3A_163 : i32
      %dma_wait3A_165 = arith.constant 0 : i32
      %dma_wait3A_166 = tpu.memref_slice %arg5[%mul3A_162, %dma_wait3A_165] : memref<32x50xi32, #tpu.memory_space<vmem>> -> memref<1x50xi32, #tpu.memory_space<vmem>>
      %dma_wait3A_167 = tpu.memref_squeeze %dma_wait3A_166 : memref<1x50xi32, #tpu.memory_space<vmem>> -> memref<50xi32, #tpu.memory_space<vmem>>
      %dma_wait3A_168 = arith.constant 0 : i32
      %dma_wait3A_169 = arith.constant 0 : i32
      %dma_wait3A_170 = arith.constant 0 : i32
      %dma_wait3A_171 = tpu.memref_slice %arg3[%dma_wait3A_168, %dma_wait3A_169, %dma_wait3A_170] : memref<1000x8x128xf32, #tpu.memory_space<hbm>> -> memref<1000x8x128xf32, #tpu.memory_space<hbm>>
      tpu.wait_indirect_dma semaphore(%arg8 : memref<!tpu.dma_semaphore, #tpu.memory_space<semaphore_mem>>) src(%dma_wait3A_171 : memref<1000x8x128xf32, #tpu.memory_space<hbm>>) dst(%arg6 : memref<50x8x128xf32, #tpu.memory_space<vmem>>)
      %add3A_172 = arith.addi %mul3A_2, %mul3A_162 : i32
      %dma_start3A_173 = arith.constant 0 : i32
      %dma_start3A_174 = arith.constant 0 : i32
      %dma_start3A_175 = arith.constant 0 : i32
      %dma_start3A_176 = tpu.memref_slice %arg4[%add3A_172, %dma_start3A_173, %dma_start3A_174, %dma_start3A_175] : memref<1024x50x8x128xf32, #tpu.memory_space<hbm>> -> memref<1x50x8x128xf32, #tpu.memory_space<hbm>>
      %dma_start3A_177 = tpu.memref_squeeze %dma_start3A_176 : memref<1x50x8x128xf32, #tpu.memory_space<hbm>> -> memref<50x8x128xf32, #tpu.memory_space<hbm>>
      %dma_start3A_178 = arith.constant 0 : i32
      %dma_start3A_179 = arith.constant 0 : i32
      %dma_start3A_180 = arith.constant 0 : i32
      %dma_start3A_181 = tpu.memref_slice %arg4[%add3A_172, %dma_start3A_178, %dma_start3A_179, %dma_start3A_180] : memref<1024x50x8x128xf32, #tpu.memory_space<hbm>> -> memref<1x50x8x128xf32, #tpu.memory_space<hbm>>
      %dma_start3A_182 = tpu.memref_squeeze %dma_start3A_181 : memref<1x50x8x128xf32, #tpu.memory_space<hbm>> -> memref<50x8x128xf32, #tpu.memory_space<hbm>>
      tpu.enqueue_dma source(%arg6 : memref<50x8x128xf32, #tpu.memory_space<vmem>>) target(%dma_start3A_182 : memref<50x8x128xf32, #tpu.memory_space<hbm>>) target_semaphore(%arg10 : memref<!tpu.dma_semaphore, #tpu.memory_space<semaphore_mem>>)
      %sub3A = arith.constant 2 : i32
      %sub3A_183 = arith.subi %add3A_164, %sub3A : i32
      %add3A_184 = arith.addi %mul3A_2, %sub3A_183 : i32
      %dma_wait3A_185 = arith.constant 0 : i32
      %dma_wait3A_186 = arith.constant 0 : i32
      %dma_wait3A_187 = arith.constant 0 : i32
      %dma_wait3A_188 = tpu.memref_slice %arg4[%add3A_184, %dma_wait3A_185, %dma_wait3A_186, %dma_wait3A_187] : memref<1024x50x8x128xf32, #tpu.memory_space<hbm>> -> memref<1x50x8x128xf32, #tpu.memory_space<hbm>>
      %dma_wait3A_189 = tpu.memref_squeeze %dma_wait3A_188 : memref<1x50x8x128xf32, #tpu.memory_space<hbm>> -> memref<50x8x128xf32, #tpu.memory_space<hbm>>
      %dma_wait3A_190 = arith.constant 0 : i32
      %dma_wait3A_191 = arith.constant 0 : i32
      %dma_wait3A_192 = arith.constant 0 : i32
      %dma_wait3A_193 = tpu.memref_slice %arg4[%add3A_184, %dma_wait3A_190, %dma_wait3A_191, %dma_wait3A_192] : memref<1024x50x8x128xf32, #tpu.memory_space<hbm>> -> memref<1x50x8x128xf32, #tpu.memory_space<hbm>>
      %dma_wait3A_194 = tpu.memref_squeeze %dma_wait3A_193 : memref<1x50x8x128xf32, #tpu.memory_space<hbm>> -> memref<50x8x128xf32, #tpu.memory_space<hbm>>
      tpu.wait_dma2 semaphore(%arg11 : memref<!tpu.dma_semaphore, #tpu.memory_space<semaphore_mem>>) src(%arg7 : memref<50x8x128xf32, #tpu.memory_space<vmem>>) dst(%dma_wait3A_194 : memref<50x8x128xf32, #tpu.memory_space<hbm>>)
      %dma_start3A_195 = arith.constant 0 : i32
      %dma_start3A_196 = tpu.memref_slice %arg5[%add3A_164, %dma_start3A_195] : memref<32x50xi32, #tpu.memory_space<vmem>> -> memref<1x50xi32, #tpu.memory_space<vmem>>
      %dma_start3A_197 = tpu.memref_squeeze %dma_start3A_196 : memref<1x50xi32, #tpu.memory_space<vmem>> -> memref<50xi32, #tpu.memory_space<vmem>>
      %dma_start3A_198 = arith.constant 0 : i32
      %dma_start3A_199 = arith.constant 0 : i32
      %dma_start3A_200 = arith.constant 0 : i32
      %dma_start3A_201 = tpu.memref_slice %arg3[%dma_start3A_198, %dma_start3A_199, %dma_start3A_200] : memref<1000x8x128xf32, #tpu.memory_space<hbm>> -> memref<1000x8x128xf32, #tpu.memory_space<hbm>>
      tpu.enqueue_indirect_dma source(%dma_start3A_201 : memref<1000x8x128xf32, #tpu.memory_space<hbm>>) target(%arg7 : memref<50x8x128xf32, #tpu.memory_space<vmem>>) offsets(%dma_start3A_197 : memref<50xi32, #tpu.memory_space<vmem>>) semaphore(%arg9 : memref<!tpu.dma_semaphore, #tpu.memory_space<semaphore_mem>>)
      %dma_wait3A_202 = arith.constant 0 : i32
      %dma_wait3A_203 = arith.constant 0 : i32
      %dma_wait3A_204 = arith.constant 0 : i32
      %dma_wait3A_205 = tpu.memref_slice %arg4[%add3A_172, %dma_wait3A_202, %dma_wait3A_203, %dma_wait3A_204] : memref<1024x50x8x128xf32, #tpu.memory_space<hbm>> -> memref<1x50x8x128xf32, #tpu.memory_space<hbm>>
      %dma_wait3A_206 = tpu.memref_squeeze %dma_wait3A_205 : memref<1x50x8x128xf32, #tpu.memory_space<hbm>> -> memref<50x8x128xf32, #tpu.memory_space<hbm>>
      %dma_wait3A_207 = arith.constant 0 : i32
      %dma_wait3A_208 = arith.constant 0 : i32
      %dma_wait3A_209 = arith.constant 0 : i32
      %dma_wait3A_210 = tpu.memref_slice %arg4[%add3A_172, %dma_wait3A_207, %dma_wait3A_208, %dma_wait3A_209] : memref<1024x50x8x128xf32, #tpu.memory_space<hbm>> -> memref<1x50x8x128xf32, #tpu.memory_space<hbm>>
      %dma_wait3A_211 = tpu.memref_squeeze %dma_wait3A_210 : memref<1x50x8x128xf32, #tpu.memory_space<hbm>> -> memref<50x8x128xf32, #tpu.memory_space<hbm>>
      tpu.wait_dma2 semaphore(%arg10 : memref<!tpu.dma_semaphore, #tpu.memory_space<semaphore_mem>>) src(%arg6 : memref<50x8x128xf32, #tpu.memory_space<vmem>>) dst(%dma_wait3A_211 : memref<50x8x128xf32, #tpu.memory_space<hbm>>)
      %add3A_212 = arith.constant 2 : i32
      %add3A_213 = arith.addi %mul3A_162, %add3A_212 : i32
      %dma_start3A_214 = arith.constant 0 : i32
      %dma_start3A_215 = tpu.memref_slice %arg5[%add3A_213, %dma_start3A_214] : memref<32x50xi32, #tpu.memory_space<vmem>> -> memref<1x50xi32, #tpu.memory_space<vmem>>
      %dma_start3A_216 = tpu.memref_squeeze %dma_start3A_215 : memref<1x50xi32, #tpu.memory_space<vmem>> -> memref<50xi32, #tpu.memory_space<vmem>>
      %dma_start3A_217 = arith.constant 0 : i32
      %dma_start3A_218 = arith.constant 0 : i32
      %dma_start3A_219 = arith.constant 0 : i32
      %dma_start3A_220 = tpu.memref_slice %arg3[%dma_start3A_217, %dma_start3A_218, %dma_start3A_219] : memref<1000x8x128xf32, #tpu.memory_space<hbm>> -> memref<1000x8x128xf32, #tpu.memory_space<hbm>>
      tpu.enqueue_indirect_dma source(%dma_start3A_220 : memref<1000x8x128xf32, #tpu.memory_space<hbm>>) target(%arg6 : memref<50x8x128xf32, #tpu.memory_space<vmem>>) offsets(%dma_start3A_216 : memref<50xi32, #tpu.memory_space<vmem>>) semaphore(%arg8 : memref<!tpu.dma_semaphore, #tpu.memory_space<semaphore_mem>>)
      %dma_wait3A_221 = arith.constant 0 : i32
      %dma_wait3A_222 = tpu.memref_slice %arg5[%add3A_164, %dma_wait3A_221] : memref<32x50xi32, #tpu.memory_space<vmem>> -> memref<1x50xi32, #tpu.memory_space<vmem>>
      %dma_wait3A_223 = tpu.memref_squeeze %dma_wait3A_222 : memref<1x50xi32, #tpu.memory_space<vmem>> -> memref<50xi32, #tpu.memory_space<vmem>>
      %dma_wait3A_224 = arith.constant 0 : i32
      %dma_wait3A_225 = arith.constant 0 : i32
      %dma_wait3A_226 = arith.constant 0 : i32
      %dma_wait3A_227 = tpu.memref_slice %arg3[%dma_wait3A_224, %dma_wait3A_225, %dma_wait3A_226] : memref<1000x8x128xf32, #tpu.memory_space<hbm>> -> memref<1000x8x128xf32, #tpu.memory_space<hbm>>
      tpu.wait_indirect_dma semaphore(%arg9 : memref<!tpu.dma_semaphore, #tpu.memory_space<semaphore_mem>>) src(%dma_wait3A_227 : memref<1000x8x128xf32, #tpu.memory_space<hbm>>) dst(%arg7 : memref<50x8x128xf32, #tpu.memory_space<vmem>>)
      %add3A_228 = arith.addi %mul3A_2, %add3A_164 : i32
      %dma_start3A_229 = arith.constant 0 : i32
      %dma_start3A_230 = arith.constant 0 : i32
      %dma_start3A_231 = arith.constant 0 : i32
      %dma_start3A_232 = tpu.memref_slice %arg4[%add3A_228, %dma_start3A_229, %dma_start3A_230, %dma_start3A_231] : memref<1024x50x8x128xf32, #tpu.memory_space<hbm>> -> memref<1x50x8x128xf32, #tpu.memory_space<hbm>>
      %dma_start3A_233 = tpu.memref_squeeze %dma_start3A_232 : memref<1x50x8x128xf32, #tpu.memory_space<hbm>> -> memref<50x8x128xf32, #tpu.memory_space<hbm>>
      %dma_start3A_234 = arith.constant 0 : i32
      %dma_start3A_235 = arith.constant 0 : i32
      %dma_start3A_236 = arith.constant 0 : i32
      %dma_start3A_237 = tpu.memref_slice %arg4[%add3A_228, %dma_start3A_234, %dma_start3A_235, %dma_start3A_236] : memref<1024x50x8x128xf32, #tpu.memory_space<hbm>> -> memref<1x50x8x128xf32, #tpu.memory_space<hbm>>
      %dma_start3A_238 = tpu.memref_squeeze %dma_start3A_237 : memref<1x50x8x128xf32, #tpu.memory_space<hbm>> -> memref<50x8x128xf32, #tpu.memory_space<hbm>>
      tpu.enqueue_dma source(%arg7 : memref<50x8x128xf32, #tpu.memory_space<vmem>>) target(%dma_start3A_238 : memref<50x8x128xf32, #tpu.memory_space<hbm>>) target_semaphore(%arg11 : memref<!tpu.dma_semaphore, #tpu.memory_space<semaphore_mem>>)
    }
    %scan3A_79 = arith.constant 14 : i32
    %dma_wait3A_80 = arith.constant 30 : i32
    %dma_wait3A_81 = arith.constant 0 : i32
    %dma_wait3A_82 = tpu.memref_slice %arg5[%dma_wait3A_80, %dma_wait3A_81] : memref<32x50xi32, #tpu.memory_space<vmem>> -> memref<1x50xi32, #tpu.memory_space<vmem>>
    %dma_wait3A_83 = tpu.memref_squeeze %dma_wait3A_82 : memref<1x50xi32, #tpu.memory_space<vmem>> -> memref<50xi32, #tpu.memory_space<vmem>>
    %dma_wait3A_84 = arith.constant 0 : i32
    %dma_wait3A_85 = arith.constant 0 : i32
    %dma_wait3A_86 = arith.constant 0 : i32
    %dma_wait3A_87 = tpu.memref_slice %arg3[%dma_wait3A_84, %dma_wait3A_85, %dma_wait3A_86] : memref<1000x8x128xf32, #tpu.memory_space<hbm>> -> memref<1000x8x128xf32, #tpu.memory_space<hbm>>
    tpu.wait_indirect_dma semaphore(%arg8 : memref<!tpu.dma_semaphore, #tpu.memory_space<semaphore_mem>>) src(%dma_wait3A_87 : memref<1000x8x128xf32, #tpu.memory_space<hbm>>) dst(%arg6 : memref<50x8x128xf32, #tpu.memory_space<vmem>>)
    %add3A_88 = arith.constant 30 : i32
    %add3A_89 = arith.addi %mul3A_2, %add3A_88 : i32
    %dma_start3A_90 = arith.constant 0 : i32
    %dma_start3A_91 = arith.constant 0 : i32
    %dma_start3A_92 = arith.constant 0 : i32
    %dma_start3A_93 = tpu.memref_slice %arg4[%add3A_89, %dma_start3A_90, %dma_start3A_91, %dma_start3A_92] : memref<1024x50x8x128xf32, #tpu.memory_space<hbm>> -> memref<1x50x8x128xf32, #tpu.memory_space<hbm>>
    %dma_start3A_94 = tpu.memref_squeeze %dma_start3A_93 : memref<1x50x8x128xf32, #tpu.memory_space<hbm>> -> memref<50x8x128xf32, #tpu.memory_space<hbm>>
    %dma_start3A_95 = arith.constant 0 : i32
    %dma_start3A_96 = arith.constant 0 : i32
    %dma_start3A_97 = arith.constant 0 : i32
    %dma_start3A_98 = tpu.memref_slice %arg4[%add3A_89, %dma_start3A_95, %dma_start3A_96, %dma_start3A_97] : memref<1024x50x8x128xf32, #tpu.memory_space<hbm>> -> memref<1x50x8x128xf32, #tpu.memory_space<hbm>>
    %dma_start3A_99 = tpu.memref_squeeze %dma_start3A_98 : memref<1x50x8x128xf32, #tpu.memory_space<hbm>> -> memref<50x8x128xf32, #tpu.memory_space<hbm>>
    tpu.enqueue_dma source(%arg6 : memref<50x8x128xf32, #tpu.memory_space<vmem>>) target(%dma_start3A_99 : memref<50x8x128xf32, #tpu.memory_space<hbm>>) target_semaphore(%arg10 : memref<!tpu.dma_semaphore, #tpu.memory_space<semaphore_mem>>)
    %add3A_100 = arith.constant 29 : i32
    %add3A_101 = arith.addi %mul3A_2, %add3A_100 : i32
    %dma_wait3A_102 = arith.constant 0 : i32
    %dma_wait3A_103 = arith.constant 0 : i32
    %dma_wait3A_104 = arith.constant 0 : i32
    %dma_wait3A_105 = tpu.memref_slice %arg4[%add3A_101, %dma_wait3A_102, %dma_wait3A_103, %dma_wait3A_104] : memref<1024x50x8x128xf32, #tpu.memory_space<hbm>> -> memref<1x50x8x128xf32, #tpu.memory_space<hbm>>
    %dma_wait3A_106 = tpu.memref_squeeze %dma_wait3A_105 : memref<1x50x8x128xf32, #tpu.memory_space<hbm>> -> memref<50x8x128xf32, #tpu.memory_space<hbm>>
    %dma_wait3A_107 = arith.constant 0 : i32
    %dma_wait3A_108 = arith.constant 0 : i32
    %dma_wait3A_109 = arith.constant 0 : i32
    %dma_wait3A_110 = tpu.memref_slice %arg4[%add3A_101, %dma_wait3A_107, %dma_wait3A_108, %dma_wait3A_109] : memref<1024x50x8x128xf32, #tpu.memory_space<hbm>> -> memref<1x50x8x128xf32, #tpu.memory_space<hbm>>
    %dma_wait3A_111 = tpu.memref_squeeze %dma_wait3A_110 : memref<1x50x8x128xf32, #tpu.memory_space<hbm>> -> memref<50x8x128xf32, #tpu.memory_space<hbm>>
    tpu.wait_dma2 semaphore(%arg11 : memref<!tpu.dma_semaphore, #tpu.memory_space<semaphore_mem>>) src(%arg7 : memref<50x8x128xf32, #tpu.memory_space<vmem>>) dst(%dma_wait3A_111 : memref<50x8x128xf32, #tpu.memory_space<hbm>>)
    %dma_start3A_112 = arith.constant 31 : i32
    %dma_start3A_113 = arith.constant 0 : i32
    %dma_start3A_114 = tpu.memref_slice %arg5[%dma_start3A_112, %dma_start3A_113] : memref<32x50xi32, #tpu.memory_space<vmem>> -> memref<1x50xi32, #tpu.memory_space<vmem>>
    %dma_start3A_115 = tpu.memref_squeeze %dma_start3A_114 : memref<1x50xi32, #tpu.memory_space<vmem>> -> memref<50xi32, #tpu.memory_space<vmem>>
    %dma_start3A_116 = arith.constant 0 : i32
    %dma_start3A_117 = arith.constant 0 : i32
    %dma_start3A_118 = arith.constant 0 : i32
    %dma_start3A_119 = tpu.memref_slice %arg3[%dma_start3A_116, %dma_start3A_117, %dma_start3A_118] : memref<1000x8x128xf32, #tpu.memory_space<hbm>> -> memref<1000x8x128xf32, #tpu.memory_space<hbm>>
    tpu.enqueue_indirect_dma source(%dma_start3A_119 : memref<1000x8x128xf32, #tpu.memory_space<hbm>>) target(%arg7 : memref<50x8x128xf32, #tpu.memory_space<vmem>>) offsets(%dma_start3A_115 : memref<50xi32, #tpu.memory_space<vmem>>) semaphore(%arg9 : memref<!tpu.dma_semaphore, #tpu.memory_space<semaphore_mem>>)
    %dma_wait3A_120 = arith.constant 31 : i32
    %dma_wait3A_121 = arith.constant 0 : i32
    %dma_wait3A_122 = tpu.memref_slice %arg5[%dma_wait3A_120, %dma_wait3A_121] : memref<32x50xi32, #tpu.memory_space<vmem>> -> memref<1x50xi32, #tpu.memory_space<vmem>>
    %dma_wait3A_123 = tpu.memref_squeeze %dma_wait3A_122 : memref<1x50xi32, #tpu.memory_space<vmem>> -> memref<50xi32, #tpu.memory_space<vmem>>
    %dma_wait3A_124 = arith.constant 0 : i32
    %dma_wait3A_125 = arith.constant 0 : i32
    %dma_wait3A_126 = arith.constant 0 : i32
    %dma_wait3A_127 = tpu.memref_slice %arg3[%dma_wait3A_124, %dma_wait3A_125, %dma_wait3A_126] : memref<1000x8x128xf32, #tpu.memory_space<hbm>> -> memref<1000x8x128xf32, #tpu.memory_space<hbm>>
    tpu.wait_indirect_dma semaphore(%arg9 : memref<!tpu.dma_semaphore, #tpu.memory_space<semaphore_mem>>) src(%dma_wait3A_127 : memref<1000x8x128xf32, #tpu.memory_space<hbm>>) dst(%arg7 : memref<50x8x128xf32, #tpu.memory_space<vmem>>)
    %add3A_128 = arith.constant 31 : i32
    %add3A_129 = arith.addi %mul3A_2, %add3A_128 : i32
    %dma_start3A_130 = arith.constant 0 : i32
    %dma_start3A_131 = arith.constant 0 : i32
    %dma_start3A_132 = arith.constant 0 : i32
    %dma_start3A_133 = tpu.memref_slice %arg4[%add3A_129, %dma_start3A_130, %dma_start3A_131, %dma_start3A_132] : memref<1024x50x8x128xf32, #tpu.memory_space<hbm>> -> memref<1x50x8x128xf32, #tpu.memory_space<hbm>>
    %dma_start3A_134 = tpu.memref_squeeze %dma_start3A_133 : memref<1x50x8x128xf32, #tpu.memory_space<hbm>> -> memref<50x8x128xf32, #tpu.memory_space<hbm>>
    %dma_start3A_135 = arith.constant 0 : i32
    %dma_start3A_136 = arith.constant 0 : i32
    %dma_start3A_137 = arith.constant 0 : i32
    %dma_start3A_138 = tpu.memref_slice %arg4[%add3A_129, %dma_start3A_135, %dma_start3A_136, %dma_start3A_137] : memref<1024x50x8x128xf32, #tpu.memory_space<hbm>> -> memref<1x50x8x128xf32, #tpu.memory_space<hbm>>
    %dma_start3A_139 = tpu.memref_squeeze %dma_start3A_138 : memref<1x50x8x128xf32, #tpu.memory_space<hbm>> -> memref<50x8x128xf32, #tpu.memory_space<hbm>>
    tpu.enqueue_dma source(%arg7 : memref<50x8x128xf32, #tpu.memory_space<vmem>>) target(%dma_start3A_139 : memref<50x8x128xf32, #tpu.memory_space<hbm>>) target_semaphore(%arg11 : memref<!tpu.dma_semaphore, #tpu.memory_space<semaphore_mem>>)
    %dma_wait3A_140 = arith.constant 0 : i32
    %dma_wait3A_141 = arith.constant 0 : i32
    %dma_wait3A_142 = arith.constant 0 : i32
    %dma_wait3A_143 = tpu.memref_slice %arg4[%add3A_89, %dma_wait3A_140, %dma_wait3A_141, %dma_wait3A_142] : memref<1024x50x8x128xf32, #tpu.memory_space<hbm>> -> memref<1x50x8x128xf32, #tpu.memory_space<hbm>>
    %dma_wait3A_144 = tpu.memref_squeeze %dma_wait3A_143 : memref<1x50x8x128xf32, #tpu.memory_space<hbm>> -> memref<50x8x128xf32, #tpu.memory_space<hbm>>
    %dma_wait3A_145 = arith.constant 0 : i32
    %dma_wait3A_146 = arith.constant 0 : i32
    %dma_wait3A_147 = arith.constant 0 : i32
    %dma_wait3A_148 = tpu.memref_slice %arg4[%add3A_89, %dma_wait3A_145, %dma_wait3A_146, %dma_wait3A_147] : memref<1024x50x8x128xf32, #tpu.memory_space<hbm>> -> memref<1x50x8x128xf32, #tpu.memory_space<hbm>>
    %dma_wait3A_149 = tpu.memref_squeeze %dma_wait3A_148 : memref<1x50x8x128xf32, #tpu.memory_space<hbm>> -> memref<50x8x128xf32, #tpu.memory_space<hbm>>
    tpu.wait_dma2 semaphore(%arg10 : memref<!tpu.dma_semaphore, #tpu.memory_space<semaphore_mem>>) src(%arg6 : memref<50x8x128xf32, #tpu.memory_space<vmem>>) dst(%dma_wait3A_149 : memref<50x8x128xf32, #tpu.memory_space<hbm>>)
    %dma_wait3A_150 = arith.constant 0 : i32
    %dma_wait3A_151 = arith.constant 0 : i32
    %dma_wait3A_152 = arith.constant 0 : i32
    %dma_wait3A_153 = tpu.memref_slice %arg4[%add3A_129, %dma_wait3A_150, %dma_wait3A_151, %dma_wait3A_152] : memref<1024x50x8x128xf32, #tpu.memory_space<hbm>> -> memref<1x50x8x128xf32, #tpu.memory_space<hbm>>
    %dma_wait3A_154 = tpu.memref_squeeze %dma_wait3A_153 : memref<1x50x8x128xf32, #tpu.memory_space<hbm>> -> memref<50x8x128xf32, #tpu.memory_space<hbm>>
    %dma_wait3A_155 = arith.constant 0 : i32
    %dma_wait3A_156 = arith.constant 0 : i32
    %dma_wait3A_157 = arith.constant 0 : i32
    %dma_wait3A_158 = tpu.memref_slice %arg4[%add3A_129, %dma_wait3A_155, %dma_wait3A_156, %dma_wait3A_157] : memref<1024x50x8x128xf32, #tpu.memory_space<hbm>> -> memref<1x50x8x128xf32, #tpu.memory_space<hbm>>
    %dma_wait3A_159 = tpu.memref_squeeze %dma_wait3A_158 : memref<1x50x8x128xf32, #tpu.memory_space<hbm>> -> memref<50x8x128xf32, #tpu.memory_space<hbm>>
    tpu.wait_dma2 semaphore(%arg11 : memref<!tpu.dma_semaphore, #tpu.memory_space<semaphore_mem>>) src(%arg7 : memref<50x8x128xf32, #tpu.memory_space<vmem>>) dst(%dma_wait3A_159 : memref<50x8x128xf32, #tpu.memory_space<hbm>>)
    return
  }
}

</mosaic_0001>

<sc_bundles>
// kernel: kernel.3.cloned.1.call-start
scs
__scs_entry_jumppad:
0x0: {  	(pc) =	sbr.rel $0x88, $3  }
0x1: {  	(tag) =	ssettag $0x0;
	lr =	simm.s32 $0x1  }
0x2: {  	[smem:$0x3F9F] =	sst lr;
	_ =	strace $0xD0000000  }
0x3: {  	_ = 	snop  }
0x4: {  	_ = 	snop  }
0x5: {  	_ = 	snop  }
0x6: {  	_ = 	snop  }
0x7: {  	_ = 	snop  }
__scs_overlays_trampoline_lowered:
0x8: {  	[smem:$0x3FAE] =	sst s0  }
0x9: {  	[smem:$0x3FAF] =	sst s1  }
0xa: {  	[smem:$0x3FB0] =	sst s2  }
0xb: {  	[smem:$0x3FB1] =	sst s3  }
0xc: {  	[smem:$0x3FB2] =	sst s4  }
0xd: {  	[smem:$0x3FB3] =	sst s5  }
0xe: {  	[smem:$0x3FB4] =	sst s6  }
0xf: {  	[smem:$0x3FB5] =	sst s7  }
0x10: {  	[smem:$0x3FB6] =	sst s8  }
0x11: {  	[smem:$0x3FB7] =	sst s9;
	s0 =	simm.s32 @!p0 $0x0  }
0x12: {  	s1 =	sld [smem:$0x3F9D];
	s0 =	simm.s32 @p0 $0x1  }
0x13: {  	[smem:$0x3FB8] =	sst s0;
	s0 =	simm.s32 @!p1 $0x0  }
0x14: {  	s2 =	sld [smem:$0x3F9C];
	s0 =	simm.s32 @p1 $0x1  }
0x15: {  	[smem:$0x3FB9] =	sst s0;
	s0 =	simm.s32 @!p2 $0x0  }
0x16: {  	s3 =	sld [smem:$0x3FDB];
	s0 =	simm.s32 @p2 $0x1  }
0x17: {  	s4 =	simm.s32 $0x1BF5;
	[smem:$0x3FBB] =	sst s0  }
0x18: {  	s0 =	sld [smem:$0x3F9E];
	_ =	swait.ge [sflag:s4], $0x0  }
0x19: {  	s7 =	sld [smem:$0x3F9F]  }
0x1a: {  	s8 =	sadd.s32 $0xFFFFE003, lr  }
0x1b: {  	s9 =	sadd.s32 $0xFFFFFEF7, lr;
	s5 =	simm.s32 $0xFFFFFFFF;
	p2 =	slt.u32 s8, $0xFFFFF086  }
0x1c: {  	p1 =	slt.u32 s9, $0xF7A;
	s5 =	simm.s32 @!p2 $0x0  }
0x1d: {  	s5 =	simm.s32 @p1 $0x1;
	p0 =	seq.s32 s7, s2  }
0x1e: {  	s7 =	smul.u32 @!p0 $0xF7A, s2;
	p2 =	seq.s32 @!p0 s5, $0x0  }
0x1f: {  	s9 =	smul.u32 $0xF7A, s1;
	s8 =	simm.s32 @!p0 $0x1BF5;
	p2 =	por !p2, p0  }
0x20: {  	[sflag:s8] =	ssyncset.s32 @!p0 $0xFFFFF086;
	s6 =	sadd.s32 @!p0 s3, s7;
	s7 =	simm.s32 @!p0 $0x108  }
0x21: {  	s3 =	sadd.s32 s3, s9;
	s6 =	sadd.s32 @!p0 $0x88, s6;
	s7 =	simm.s32 @p2 $0x1082  }
0x22: {  	[simem:s7], [sflag:s8] =	dma.local @!p0 [hbm:s6], $0xF7A  }
0x23: {  	s9 =	sor.u32 $0xD0000000, s2;
	s6 =	simm.s32 $0x108;
	_ =	swait.ge @!p0 [sflag:s8], $0x0  }
0x24: {  	s3 =	sadd.s32 $0x88, s3;
	s6 =	simm.s32 @!p1 $0x1082;
	[sflag:s4] =	ssyncset.s32 $0xFFFFF086  }
0x25: {  	[simem:s6], [sflag:s4] =	dma.local [hbm:s3], $0xF7A  }
0x26: {  	[smem:$0x3F9F] =	sst s1;
	(tag) =	ssettag s2;
	_ =	strace s9  }
0x27: {  	s1 =	sld [smem:$0x3FAF]  }
0x28: {  	s2 =	sld [smem:$0x3FB0]  }
0x29: {  	s4 =	sld [smem:$0x3FB2]  }
0x2a: {  	p0 =	seq.s32 s5, $0x0;
	s5 =	sld [smem:$0x3FB3]  }
0x2b: {  	s6 =	sld [smem:$0x3FB4]  }
0x2c: {  	s7 =	sld [smem:$0x3FB5]  }
0x2d: {  	s3 =	simm.s32 $0x108;
	s8 =	sld [smem:$0x3FB6]  }
0x2e: {  	s3 =	simm.s32 @!p0 $0x1082;
	s9 =	sld [smem:$0x3FB7]  }
0x2f: {  	lr =	sadd.s32 s0, s3;
	s0 =	sld [smem:$0x3FAE]  }
0x30: {  	s3 =	sld [smem:$0x3FB1]  }
0x31: {  	[smem:$0x3FBA] =	sst s10  }
0x32: {  	s10 =	sld [smem:$0x3FB8];
	_ =	sdelay $0x3  }
0x33: {  	p0 =	seq.s32 s10, $0x1;
	s10 =	sld [smem:$0x3FBA];
	_ =	sdelay $0x3  }
0x34: {  	[smem:$0x3FBA] =	sst s10  }
0x35: {  	s10 =	sld [smem:$0x3FB9];
	_ =	sdelay $0x3  }
0x36: {  	p1 =	seq.s32 s10, $0x1;
	s10 =	sld [smem:$0x3FBA];
	_ =	sdelay $0x3  }
0x37: {  	[smem:$0x3FBA] =	sst s10  }
0x38: {  	s10 =	sld [smem:$0x3FBB]  }
0x39: {  	_ = 	snop;
	(pc) =	sbr.ind lr, $3  }
0x3a: {  	_ = 	snop  }
0x3b: {  	_ = 	snop  }
0x3c: {  	p2 =	seq.s32 s10, $0x1;
	s10 =	sld [smem:$0x3FBA]  }
0x3d: {  	_ =	shalt  }
0x3e: {  	_ =	shalt  }
0x3f: {  	_ =	shalt  }
0x40: {  	_ =	shalt  }
0x41: {  	_ =	shalt  }
0x42: {  	_ =	shalt  }
0x43: {  	_ =	shalt  }
0x44: {  	_ =	shalt  }
0x45: {  	_ =	shalt  }
0x46: {  	_ =	shalt  }
0x47: {  	_ =	shalt  }
0x48: {  	_ =	shalt  }
0x49: {  	_ =	shalt  }
0x4a: {  	_ =	shalt  }
0x4b: {  	_ =	shalt  }
0x4c: {  	_ =	shalt  }
0x4d: {  	_ =	shalt  }
0x4e: {  	_ =	shalt  }
0x4f: {  	_ =	shalt  }
0x50: {  	_ =	shalt  }
0x51: {  	_ =	shalt  }
0x52: {  	_ =	shalt  }
0x53: {  	_ =	shalt  }
0x54: {  	_ =	shalt  }
0x55: {  	_ =	shalt  }
0x56: {  	_ =	shalt  }
0x57: {  	_ =	shalt  }
0x58: {  	_ =	shalt  }
0x59: {  	_ =	shalt  }
0x5a: {  	_ =	shalt  }
0x5b: {  	_ =	shalt  }
0x5c: {  	_ =	shalt  }
0x5d: {  	_ =	shalt  }
0x5e: {  	_ =	shalt  }
0x5f: {  	_ =	shalt  }
0x60: {  	_ =	shalt  }
0x61: {  	_ =	shalt  }
0x62: {  	_ =	shalt  }
0x63: {  	_ =	shalt  }
0x64: {  	_ =	shalt  }
0x65: {  	_ =	shalt  }
0x66: {  	_ =	shalt  }
0x67: {  	_ =	shalt  }
0x68: {  	_ =	shalt  }
0x69: {  	_ =	shalt  }
0x6a: {  	_ =	shalt  }
0x6b: {  	_ =	shalt  }
0x6c: {  	_ =	shalt  }
0x6d: {  	_ =	shalt  }
0x6e: {  	_ =	shalt  }
0x6f: {  	_ =	shalt  }
0x70: {  	_ =	shalt  }
0x71: {  	_ =	shalt  }
0x72: {  	_ =	shalt  }
0x73: {  	_ =	shalt  }
0x74: {  	_ =	shalt  }
0x75: {  	_ =	shalt  }
0x76: {  	_ =	shalt  }
0x77: {  	_ =	shalt  }
0x78: {  	_ =	shalt  }
0x79: {  	_ =	shalt  }
0x7a: {  	_ =	shalt  }
0x7b: {  	_ =	shalt  }
0x7c: {  	_ =	shalt  }
0x7d: {  	_ =	shalt  }
0x7e: {  	_ =	shalt  }
0x7f: {  	_ =	shalt  }
0x80: {  	_ =	shalt  }
0x81: {  	_ =	shalt  }
0x82: {  	_ =	shalt  }
0x83: {  	_ =	shalt  }
0x84: {  	_ =	shalt  }
0x85: {  	_ =	shalt  }
0x86: {  	_ =	shalt  }
0x87: {  	_ =	shalt  }
.Lfunc_end0:
.L_simem_size_0:
called_computation_lowered:
.L_overlay_start_0:
0x88: {  	s2 =	sld [smem:$0x3FD9]  }
0x89: {  	s3 =	sld [smem:$0x3FFE];
	_ =	sdelay $0x1  }
0x8a: {  	s1 =	srdreg.scid  }
0x8b: {  	s0 =	sand.u32 $0x1, s1  }
0x8c: {  	s17 =	sshll.u32 s0, $0xA;
	s2 =	sadd.s32 s3, s2  }
0x8d: {  	s2 =	sadd.s32 s2, s17  }
0x8e: {  	[smem:$0x3FC6] =	sst s2  }
0x8f: {  	_ = 	snop  }
0x90: {  	s2 =	sld [smem:$0x3FD0];
	(tm) =	ssettm $0x1  }
0x91: {  	s18 =	sld [smem:$0x3FFB];
	_ =	sdelay $0x3  }
0x92: {  	_ =	strace s18  }
0x93: {  	s3 =	sld [smem:$0x3FFC];
	_ =	sdelay $0x3  }
0x94: {  	_ =	strace s3  }
0x95: {  	s3 =	sld [smem:$0x3FFD];
	_ =	sdelay $0x3  }
0x96: {  	_ =	strace s3  }
0x97: {  	_ =	strace $0x8FFFFFFF  }
0x98: {  	s19 =	sld [smem:$0x3FDB];
	_ =	sdelay $0x1  }
0x99: {  	s4 =	simm.s32 $_scs_section_size  }
0x9a: {  	s5 =	simm.s32 $_size__tile_overlayer_lowered;
	s6 =	simm.s32 $_tile_overlayer_lowered  }
0x9b: {  	s22 =	simm.s32 $0x1BFF;
	s21 =	sshll.u32 s6, $0x1;
	s3 =	sadd.s32 s4, s19  }
0x9c: {  	s7 =	simm.s32 $0x0;
	s20 =	sshll.u32 s5, $0x1;
	s5 =	sadd.s32 s21, s3  }
0x9d: {  	[timem:s7], [sflag:s22] =	dma.local [hbm:s5], s20  }
0x9e: {  	_ =	swait.ge [sflag:s22], s20  }
0x9f: {  	s4 =	ssub.s32 $0x0, s20;
	[sflag:s22] =	ssyncset.done $0x0  }
0xa0: {  	[sflag:s22] =	ssyncadd.s32 s4;
	_ =	sdelay $0x1  }
0xa1: {  	s23 =	simm.s32 $0x1B8B  }
0xa2: {  	_ =	swait.ge [sflag:s23], $0x1  }
0xa3: {  	[sflag:s23] =	ssyncset.done $0x0  }
0xa4: {  	s25 =	simm.s32 $0x1B8E;
	s24 =	sld [smem:$0x3FFE];
	[sflag:s23] =	ssyncadd.s32 $0xFFFFFFFF  }
0xa5: {  	s26 =	simm.s32 $execute0_lowered;
	[smem:$0x3FD2] =	sst s25  }
0xa6: {  	s5 =	sshll.u32 s26, $0x1;
	_ =	strace $0x80000046;
	[dreg:$0x1] =	wrdreg $0xFFFFFFFF  }
0xa7: {  	s28 =	simm.s32 $_size_execute0_lowered;
	s3 =	sadd.s32 s3, s5;
	[dreg:$0x0] =	wrdreg $0x0  }
0xa8: {  	s5 =	sshll.u32 s28, $0x1;
	[dreg:$0x2] =	wrdreg s3  }
0xa9: {  	[dreg:$0x3] =	wrdreg s5  }
0xaa: {  	[dreg:$0x4] =	wrdreg $0xC0  }
0xab: {  	_ =	task [dreg:s7], $0x5FFFF  }
0xac: {  	[dreg:$0x1] =	wrdreg $0xFFFFFFFF  }
0xad: {  	[dreg:$0x0] =	wrdreg $0x60  }
0xae: {  	[dreg:$0x2] =	wrdreg s24  }
0xaf: {  	[dreg:$0x3] =	wrdreg s2  }
0xb0: {  	[dreg:$0x4] =	wrdreg $0x9  }
0xb1: {  	_ =	task.clear_ibuf [dreg:s7], $0x5FFFF;
	_ =	strace $0x90000046  }
0xb2: {  	s29 =	simm.s32 $0x9;
	_ =	strace $0x80000048  }
0xb3: {  	_ =	swait.ge [sflag:s29], $0x1  }
0xb4: {  	[sflag:s29] =	ssyncadd.s32 $0xFFFFFFFF  }
0xb5: {  	_ =	strace $0x90000048  }
0xb6: {  	_ =	sfence  }
0xb7: {  	s30 =	sld [smem:$0x0];
	_ =	sdelay $0x2  }
0xb8: {  	s31 =	sshll.u32 s1, $0xD;
	s1 =	sshrl.u32 s1, $0x2  }
0xb9: {  	s3 =	sand.u32 $0x4000, s31;
	s1 =	sadd.s32 s1, s30  }
0xba: {  	s0 =	sor.u32 s3, s0;
	s1 =	sshll.u32 s1, $0x11  }
0xbb: {  	s0 =	sor.u32 s1, s0  }
0xbc: {  	s0 =	sadd.s32 $0x8F2B, s0  }
0xbd: {  	[sflag:s0] =	ssyncadd.remote.s32 $0x1  }
0xbe: {  	_ =	sfence.sel $0xFFFF  }
0xbf: {  	[dreg:$0x0] =	wrdreg $0xFFFFFFFF;
	(pc) =	sbr.abs _section_cstart, $3  }
0xc0: {  	[dreg:$0x1] =	wrdreg $0xFFFFFFFF  }
0xc1: {  	_ =	task.clear_ibuf [dreg:s7], $0x2FFFF;
	_ =	strace $0x9FFFFFFF  }
0xc2: {  	(tm) =	ssettm $0x7FFFFFFF  }
0xc3: {  	_ =	shalt  }
tec
execute0_lowered:
.L_overlay_start_1:
0x0: {  	(tag) =	ssettag $0x1  }
0x1: {  	s4 =	rddreg [dreg:$0x0]  }
0x2: {  	s2 =	rddreg [dreg:$0x1]  }
0x3: {  	s0 =	rddreg [dreg:$0x2]  }
0x4: {  	s5 =	srdreg.scid;
	s3 =	simm.s32 $0x0;
	s1 =	stileid.u32  }
0x5: {  	s13 =	simm.s32 $0x1000;
	s14 =	simm.s32 $0x1;
	s15 =	simm.s32 $0x80  }
0x6: {  	s16 =	simm.s32 $0xD800;
	s17 =	simm.s32 $0x3;
	s18 =	simm.s32 $0x100  }
0x7: {  	s19 =	simm.s32 $0x2;
	s20 =	simm.s32 $0x4;
	s21 =	simm.s32 $0xF80  }
0x8: {  	s22 =	simm.s32 $0x0;
	s5 =	sand.u32 $0x1, s5;
	[smem:$0x7FF] =	sst s3  }
0x9: {  	s6 =	sshll.u32 s1, $0x6;
	s30 =	smul.u32 $0x64000, s1;
	s7 =	sshll.u32 s5, $0x5  }
0xa: {  	s11 =	sadd.s32 $0x4400, s4;
	s12 =	smul.u32 $0x32000, s5;
	s6 =	sor.u32 s7, s6  }
0xb: {  	_ =	strace $0x80000047;
	s8 =	ssub.s32 $0x2, s5;
	s9 =	smul.u32 $0x1900, s6  }
0xc: {  	s10 =	sshrl.u32 s8, $0x1;
	s7 =	sshll.u32 s6, $0x4;
	s6 =	smul.u32 $0xC800, s6  }
0xd: {  	s10 =	ssub.s32 s8, s10;
	s8 =	sadd.s32 s30, s11;
	s7 =	sadd.s32 s7, s4  }
0xe: {  	s4 =	sadd.s32 $0x400, s7;
	s6 =	sshrl.u32 s6, $0x3;
	s5 =	sadd.s32 s11, s9  }
0xf: {  	s9 =	smax.u32 s10, $0x1;
	s31 =	sadd.s32 s11, s6;
	s6 =	sadd.s32 $0x1900, s5  }
0x10: {  	s11 =	sadd.s32 s12, s8;
	s12 =	simm.s32 $0x32;
	s7 =	sadd.s32 $0x2EE00, s31  }
0x11: {  	s8 =	sadd.s32 $0x30700, s31;
	s10 =	sadd.s32 $0x3200, s11;
	s11 =	simm.s32 $0x5  }
.LBB2_1:
0x12: {  	[tilespmem:s3], [sflag:$0x5] =	stream.linear.gather [hbm4b:s4+s3], $0x1000, $0x38;
	[tilespmem:$0x1A000] =	vst v63  }
0x13: {  	_ =	swait.ge [sflag:s11], $0x1000  }
0x14: {  	[sflag:s11] =	ssyncset.done $0x0  }
0x15: {  	[sflag:s11] =	ssyncadd.s32 $0xFFFFF000  }
0x16: {  	[tilespmem:s13], [sflag:$0x1] =	stream.indirect.gather [hbm4b:s2+s12], $0x400, s3, s12, $0xb8;
	[tilespmem:$0x1A000] =	vst v63  }
0x17: {  	_ =	swait.ge [sflag:s14], $0xC800  }
0x18: {  	[sflag:s14] =	ssyncset.done $0x0  }
0x19: {  	[sflag:s14] =	ssyncadd.s32 $0xFFFF3800  }
0x1a: {  	[hbm4b:s5+s3] =	stream.linear.scatter [tilespmem:s13], [sflag:$0x3], $0xC800, $0x38;
	[tilespmem:$0x1A000] =	vst v63  }
0x1b: {  	_ = 	snop  }
0x1c: {  	[tilespmem:s16], [sflag:$0x2] =	stream.indirect.gather [hbm4b:s2+s12], $0x400, s15, s12, $0xb8;
	[tilespmem:$0x1A000] =	vst v63  }
0x1d: {  	_ =	swait.ge [sflag:s17], $0xC800  }
0x1e: {  	[sflag:s17] =	ssyncset.done $0x0  }
0x1f: {  	[sflag:s17] =	ssyncadd.s32 $0xFFFF3800  }
0x20: {  	[tilespmem:s13], [sflag:$0x1] =	stream.indirect.gather [hbm4b:s2+s12], $0x400, s18, s12, $0xb8;
	[tilespmem:$0x1A000] =	vst v63  }
0x21: {  	_ =	swait.ge [sflag:s19], $0xC800  }
0x22: {  	[sflag:s19] =	ssyncset.done $0x0  }
0x23: {  	[sflag:s19] =	ssyncadd.s32 $0xFFFF3800  }
0x24: {  	[hbm4b:s6+s3] =	stream.linear.scatter [tilespmem:s16], [sflag:$0x4], $0xC800, $0x38;
	[tilespmem:$0x1A000] =	vst v63  }
0x25: {  	_ =	swait.ge [sflag:s14], $0xC800  }
0x26: {  	[sflag:s14] =	ssyncset.done $0x0  }
0x27: {  	[sflag:s14] =	ssyncadd.s32 $0xFFFF3800  }
0x28: {  	[hbm4b:s10+s3] =	stream.linear.scatter [tilespmem:s13], [sflag:$0x3], $0xC800, $0x38;
	[tilespmem:$0x1A000] =	vst v63  }
0x29: {  	_ =	swait.ge [sflag:s20], $0xC800  }
0x2a: {  	[sflag:s20] =	ssyncset.done $0x0  }
0x2b: {  	s23 =	simm.s32 $0x180;
	[sflag:s20] =	ssyncadd.s32 $0xFFFF3800  }
0x2c: {  	[tilespmem:s16], [sflag:$0x2] =	stream.indirect.gather [hbm4b:s2+s12], $0x400, s23, s12, $0xb8;
	[tilespmem:$0x1A000] =	vst v63  }
0x2d: {  	_ =	swait.ge [sflag:s17], $0xC800  }
0x2e: {  	[sflag:s17] =	ssyncset.done $0x0  }
0x2f: {  	s31 =	simm.s32 $0x200;
	[sflag:s17] =	ssyncadd.s32 $0xFFFF3800  }
0x30: {  	[tilespmem:s13], [sflag:$0x1] =	stream.indirect.gather [hbm4b:s2+s12], $0x400, s31, s12, $0xb8;
	[tilespmem:$0x1A000] =	vst v63  }
0x31: {  	_ =	swait.ge [sflag:s19], $0xC800  }
0x32: {  	s25 =	sadd.s32 $0x1900, s10;
	[sflag:s19] =	ssyncset.done $0x0  }
0x33: {  	s24 =	sadd.s32 $0x3200, s10;
	s23 =	simm.s32 $0x400;
	[sflag:s19] =	ssyncadd.s32 $0xFFFF3800  }
.LBB2_2:
0x34: {  	[hbm4b:s25+s3] =	stream.linear.scatter [tilespmem:s16], [sflag:$0x4], $0xC800, $0x38;
	[tilespmem:$0x1A000] =	vst v63  }
0x35: {  	s25 =	smov.u32 s23  }
0x36: {  	p0 =	sne.s32 s23, $0x3400;
	s23 =	sadd.s32 $0x400, s23;
	_ =	swait.ge [sflag:s14], $0xC800  }
0x37: {  	[sflag:s14] =	ssyncset.done $0x0  }
0x38: {  	[sflag:s14] =	ssyncadd.s32 $0xFFFF3800  }
0x39: {  	[hbm4b:s24+s3] =	stream.linear.scatter [tilespmem:s13], [sflag:$0x3], $0xC800, $0x38;
	[tilespmem:$0x1A000] =	vst v63  }
0x3a: {  	_ =	swait.ge [sflag:s20], $0xC800  }
0x3b: {  	s25 =	sshra.s32 s25, $0x2;
	[sflag:s20] =	ssyncset.done $0x0  }
0x3c: {  	s26 =	sadd.s32 $0x180, s25;
	[sflag:s20] =	ssyncadd.s32 $0xFFFF3800  }
0x3d: {  	[tilespmem:s16], [sflag:$0x2] =	stream.indirect.gather [hbm4b:s2+s12], $0x400, s26, s12, $0xb8;
	[tilespmem:$0x1A000] =	vst v63  }
0x3e: {  	_ =	swait.ge [sflag:s17], $0xC800  }
0x3f: {  	[sflag:s17] =	ssyncset.done $0x0  }
.Ltmp0:
0x40: {  	s25 =	sadd.s32 $0x200, s25;
	[sflag:s17] =	ssyncadd.s32 $0xFFFF3800;
	(pc) =	sbr.rel @p0 .LBB2_2-.Ltmp0, $4  }
0x41: {  	[tilespmem:s13], [sflag:$0x1] =	stream.indirect.gather [hbm4b:s2+s12], $0x400, s25, s12, $0xb8;
	[tilespmem:$0x1A000] =	vst v63  }
0x42: {  	_ =	swait.ge [sflag:s19], $0xC800  }
0x43: {  	[sflag:s19] =	ssyncset.done $0x0  }
0x44: {  	s25 =	sadd.s32 $0x1900, s24;
	s24 =	sadd.s32 $0x3200, s24;
	[sflag:s19] =	ssyncadd.s32 $0xFFFF3800  }
0x45: {  	[hbm4b:s25+s3] =	stream.linear.scatter [tilespmem:s16], [sflag:$0x4], $0xC800, $0x38;
	[tilespmem:$0x1A000] =	vst v63  }
0x46: {  	_ =	swait.ge [sflag:s14], $0xC800  }
0x47: {  	[sflag:s14] =	ssyncset.done $0x0  }
0x48: {  	[sflag:s14] =	ssyncadd.s32 $0xFFFF3800  }
0x49: {  	[hbm4b:s7+s3] =	stream.linear.scatter [tilespmem:s13], [sflag:$0x3], $0xC800, $0x38;
	[tilespmem:$0x1A000] =	vst v63  }
0x4a: {  	_ =	swait.ge [sflag:s20], $0xC800  }
0x4b: {  	[sflag:s20] =	ssyncset.done $0x0  }
0x4c: {  	[sflag:s20] =	ssyncadd.s32 $0xFFFF3800  }
0x4d: {  	[tilespmem:s16], [sflag:$0x2] =	stream.indirect.gather [hbm4b:s2+s12], $0x400, s21, s12, $0xb8;
	[tilespmem:$0x1A000] =	vst v63  }
0x4e: {  	_ =	swait.ge [sflag:s19], $0xC800  }
0x4f: {  	[sflag:s19] =	ssyncset.done $0x0  }
0x50: {  	s22 =	sadd.s32 $0x1, s22;
	[sflag:s19] =	ssyncadd.s32 $0xFFFF3800  }
0x51: {  	[hbm4b:s8+s3] =	stream.linear.scatter [tilespmem:s16], [sflag:$0x4], $0xC800, $0x38;
	[tilespmem:$0x1A000] =	vst v63  }
0x52: {  	p0 =	sne.s32 s22, s9;
	_ =	swait.ge [sflag:s17], $0xC800  }
.Ltmp1:
0x53: {  	[sflag:s17] =	ssyncset.done $0x0;
	(pc) =	sbr.rel @p0 .LBB2_1-.Ltmp1, $4  }
0x54: {  	[sflag:s17] =	ssyncadd.s32 $0xFFFF3800  }
0x55: {  	_ =	swait.ge [sflag:s20], $0xC800  }
0x56: {  	[sflag:s20] =	ssyncset.done $0x0  }
0x57: {  	[sflag:s20] =	ssyncadd.s32 $0xFFFF3800  }
0x58: {  	_ =	sfence.sel $0x180000  }
0x59: {  	[bflag:$0x0] =	sbarrier.arrive $0xFFFF  }
0x5a: {  	p0 =	sne.s32 s1, $0x0;
	_ =	strace $0x90000047  }
0x5b: {  	s0 =	sadd.s32 @!p0 $0x100000, s0;
	[bflag:$0x2] =	sbarrier.arrive $0xFFFF  }
0x5c: {  	[sflag:s0] =	ssyncadd.tile.s32 @!p0 $0x1;
	_ =	shalt  }
.Lfunc_end2:
_tile_overlayer_lowered:
.L_overlay_start_2:
0x5d: {  	(tag) =	ssettag $0x2  }
0x5e: {  	s0 =	rddreg [dreg:$0x0];
	s2 =	stileid.u32  }
0x5f: {  	s1 =	rddreg [dreg:$0x1];
	p0 =	sne.s32 s2, $0x0  }
0x60: {  	s3 =	rddreg [dreg:$0x2];
	[bflag:$0x3] =	sbarrier.arrive $0xFFFF;
	s2 =	simm.s32 @!p0 $0x1C05  }
0x61: {  	[timem:s3], [sflag:s2] =	dma.local @!p0 [hbm:s0], s1  }
0x62: {  	s0 =	simm.s32 @!p0 $0x5  }
0x63: {  	_ =	swait.ge @!p0 [sflag:s0], s1  }
0x64: {  	s1 =	ssub.s32 @!p0 $0x0, s1;
	[sflag:s0] =	ssyncset.done @!p0 $0x0  }
0x65: {  	[sflag:s0] =	ssyncadd.s32 @!p0 s1  }
0x66: {  	[bflag:$0x3] =	sbarrier.arrive $0xFFFF  }
0x67: {  	_ =	shalt  }

</sc_bundles>
